<compile_context>
chip_gen: v7x
topology: tpu7x:2x2x1
jax: 0.10.2.dev20260603
libtpu: 0.0.44.dev20260713+nightly
codegen_flags: <defaults>
</compile_context>

<pallas_src>
import functools

import jax
import jax.numpy as jnp
from jax import lax
from jax.experimental import pallas as pl
from jax.experimental.pallas import tpu as pltpu
from jax.experimental.pallas import tpu_sc as plsc

BATCH = 16384
HIST = 200
N = BATCH * HIST

_INFO = plsc.get_sparse_core_info()
NC = _INFO.num_cores
NS = _INFO.num_subcores
L = _INFO.num_lanes
NW = NC * NS

PER_W = N // NW
CHUNK = 5120
NCHUNK = PER_W // CHUNK
SEG = 6400


def _make_lookup(vocab: int):
    mesh = plsc.VectorSubcoreMesh(core_axis_name="c", subcore_axis_name="s")

    @functools.partial(
        pl.kernel,
        mesh=mesh,
        out_type=jax.ShapeDtypeStruct((N,), jnp.int32),
        scratch_types=[
            pltpu.VMEM_SHARED((vocab,), jnp.int32),
            pltpu.VMEM((vocab,), jnp.int32),
            pltpu.VMEM((CHUNK,), jnp.int32),
            pltpu.VMEM((CHUNK,), jnp.int32),
            pltpu.VMEM((CHUNK,), jnp.int32),
            pltpu.VMEM((CHUNK,), jnp.int32),
            pltpu.SemaphoreType.DMA,
            pltpu.SemaphoreType.DMA,
            pltpu.SemaphoreType.DMA,
            pltpu.SemaphoreType.DMA,
        ],
        compiler_params=pltpu.CompilerParams(
            needs_layout_passes=False,
            use_tc_tiling_on_sc=False,
        ),
    )
    def lookup(
        idx_hbm, tab_hbm, out_hbm,
        tab_sp, tab_v, in_a, in_b, res_a, res_b, s_ia, s_ib, s_oa, s_ob,
    ):
        sid = lax.axis_index("s")
        wid = sid * NC + lax.axis_index("c")
        base = wid * PER_W

        pltpu.async_copy(idx_hbm.at[pl.ds(base, CHUNK)], in_a, s_ia)
        pltpu.async_copy(idx_hbm.at[pl.ds(base + CHUNK, CHUNK)], in_b, s_ib)

        tail = vocab - (NS - 1) * SEG

        @pl.when(sid < NS - 1)
        def _():
            pltpu.sync_copy(
                tab_hbm.at[pl.ds(sid * SEG, SEG)],
                tab_sp.at[pl.ds(sid * SEG, SEG)],
            )

        @pl.when(sid == NS - 1)
        def _():
            pltpu.sync_copy(
                tab_hbm.at[pl.ds((NS - 1) * SEG, tail)],
                tab_sp.at[pl.ds((NS - 1) * SEG, tail)],
            )

        plsc.subcore_barrier()

        pltpu.sync_copy(tab_sp, tab_v)
        lane = lax.iota(jnp.int32, 16)
        head = tab_v[pl.ds(0, L)]
        tab_v[pl.ds(0, L)] = jnp.where(lane == 0, jnp.zeros_like(head), head)

        def gather_chunk(in_v, res_v):
            @plsc.parallel_loop(0, CHUNK, step=L, unroll=8)
            def _(o):
                res_v[pl.ds(o, L)] = plsc.load_gather(
                    tab_v, [in_v[pl.ds(o, L)]]
                )

        bufs = ((in_a, res_a, s_ia, s_oa), (in_b, res_b, s_ib, s_ob))

        def pair_body(g, carry):
            for p in range(2):
                in_v, res_v, s_in, s_out = bufs[p]
                k = 2 * g + p
                off = base + k * CHUNK
                pltpu.make_async_copy(
                    idx_hbm.at[pl.ds(off, CHUNK)], in_v, s_in
                ).wait()

                @pl.when(k >= 2)
                def _():
                    pltpu.make_async_copy(
                        res_v, out_hbm.at[pl.ds(off - 2 * CHUNK, CHUNK)], s_out
                    ).wait()

                gather_chunk(in_v, res_v)
                pltpu.async_copy(res_v, out_hbm.at[pl.ds(off, CHUNK)], s_out)

                @pl.when(k + 2 < NCHUNK)
                def _():
                    pltpu.async_copy(
                        idx_hbm.at[pl.ds(off + 2 * CHUNK, CHUNK)], in_v, s_in
                    )

            return carry

        lax.fori_loop(0, NCHUNK // 2, pair_body, 0)
        for k in (NCHUNK - 2, NCHUNK - 1):
            in_v, res_v, s_in, s_out = bufs[k % 2]
            pltpu.make_async_copy(
                res_v, out_hbm.at[pl.ds(base + k * CHUNK, CHUNK)], s_out
            ).wait()

    return lookup


def kernel(inputs, table_vals):
    idx = inputs.astype(jnp.int32)
    idx = idx.reshape(128, 128, 25, 8).transpose(2, 0, 3, 1).reshape(N)
    out = _make_lookup(table_vals.shape[0])(idx, table_vals)
    out = out.reshape(25, 128, 8, 128).transpose(1, 3, 0, 2)
    return out.reshape(BATCH, HIST)

# --- scband reference (transcript-rebuilt; emitter-appended) ---
"""Pipeline reference for scband-sparse-vocab-layer-52553219834061 (READ-ONLY COPY).

The authoritative reference and input builder live on the scoring server;
editing this copy changes nothing except your own understanding.
"""

import jax, jax.numpy as jnp
import numpy as np

VOCAB = 100000
BATCH = 16384
HIST = 200


def setup_inputs(seed: int = 0) -> dict:
    key = jax.random.key(seed)
    # Token ids stand in for the original string keys; id 0 plays the role of
    # the empty string '' (masked out in the original SparseTensor construction).
    inputs = jax.random.randint(key, (BATCH, HIST), 0, VOCAB, dtype=jnp.int32).astype(jnp.int64)
    # StaticHashTable: key k -> value k+1 (vals = tf.range(1, len(keys)+1)), default 0.
    table_vals = jnp.arange(1, VOCAB + 1, dtype=jnp.int32)
    return {"inputs": inputs, "table_vals": table_vals}


def reference(inputs, table_vals):
    # Original: gather non-empty positions, look each up in the hash table,
    # emit a SparseTensor. Here we return the densified equivalent: looked-up
    # ids at non-masked positions, 0 (the sparse default) elsewhere.
    mask = jnp.not_equal(inputs, 0)
    looked = jnp.take(table_vals, inputs, axis=0)
    out = jnp.where(mask, looked, jnp.int32(0))
    return out

if __name__ == "__main__":
    import jax
    _d = setup_inputs()
    print(jax.jit(kernel)(*tuple(_d.values())))

</pallas_src>

<mosaic_0001>
#map = affine_map<(d0, d1) -> (0)>
module attributes {stable_mosaic.version = 14 : i64} {
  func.func @lookup(%arg0: i32, %arg1: i32, %arg2: memref<3276800xi32, #tpu.memory_space<hbm>>, %arg3: memref<100000xi32, #tpu.memory_space<hbm>>, %arg4: memref<3276800xi32, #tpu.memory_space<hbm>>, %arg5: memref<100000xi32, #tpu.memory_space<vmem_shared>>, %arg6: memref<100000xi32, #tpu.memory_space<vmem>>, %arg7: memref<5120xi32, #tpu.memory_space<vmem>>, %arg8: memref<5120xi32, #tpu.memory_space<vmem>>, %arg9: memref<5120xi32, #tpu.memory_space<vmem>>, %arg10: memref<5120xi32, #tpu.memory_space<vmem>>, %arg11: memref<!tpu.dma_semaphore, #tpu.memory_space<semaphore_mem>>, %arg12: memref<!tpu.dma_semaphore, #tpu.memory_space<semaphore_mem>>, %arg13: memref<!tpu.dma_semaphore, #tpu.memory_space<semaphore_mem>>, %arg14: memref<!tpu.dma_semaphore, #tpu.memory_space<semaphore_mem>>) attributes {dimension_semantics = [#tpu.dimension_semantics<core_parallel>, #tpu.dimension_semantics<subcore_parallel>], iteration_bounds = array<i64: 2, 16>, scalar_prefetch = 0 : i64, scratch_operands = 10 : i64, tpu.core_type = #tpu.core_type<sc_vector_subcore>, window_params = [{transform_indices = #map}, {transform_indices = #map}, {transform_indices = #map}]} {
    %mul3A = arith.constant 2 : i32
    %mul3A_0 = arith.muli %arg1, %mul3A : i32
    %add3A = arith.addi %mul3A_0, %arg0 : i32
    %mul3A_1 = arith.constant 102400 : i32
    %mul3A_2 = arith.muli %add3A, %mul3A_1 : i32
    %dma_start3A = tpu.memref_slice %arg2[%mul3A_2] : memref<3276800xi32, #tpu.memory_space<hbm>> -> memref<5120xi32, #tpu.memory_space<hbm>>
    %dma_start3A_3 = tpu.memref_slice %arg2[%mul3A_2] : memref<3276800xi32, #tpu.memory_space<hbm>> -> memref<5120xi32, #tpu.memory_space<hbm>>
    tpu.enqueue_dma source(%dma_start3A_3 : memref<5120xi32, #tpu.memory_space<hbm>>) target(%arg7 : memref<5120xi32, #tpu.memory_space<vmem>>) target_semaphore(%arg11 : memref<!tpu.dma_semaphore, #tpu.memory_space<semaphore_mem>>)
    %add3A_4 = arith.constant 5120 : i32
    %add3A_5 = arith.addi %mul3A_2, %add3A_4 : i32
    %dma_start3A_6 = tpu.memref_slice %arg2[%add3A_5] : memref<3276800xi32, #tpu.memory_space<hbm>> -> memref<5120xi32, #tpu.memory_space<hbm>>
    %dma_start3A_7 = tpu.memref_slice %arg2[%add3A_5] : memref<3276800xi32, #tpu.memory_space<hbm>> -> memref<5120xi32, #tpu.memory_space<hbm>>
    tpu.enqueue_dma source(%dma_start3A_7 : memref<5120xi32, #tpu.memory_space<hbm>>) target(%arg8 : memref<5120xi32, #tpu.memory_space<vmem>>) target_semaphore(%arg12 : memref<!tpu.dma_semaphore, #tpu.memory_space<semaphore_mem>>)
    %lt3A = arith.constant 15 : i32
    %lt3A_8 = arith.cmpi slt, %arg1, %lt3A : i32
    %convert_element_type3A = arith.extui %lt3A_8 : i1 to i32
    %cond3A = arith.constant 0 : i32
    %cond3A_9 = arith.cmpi ne, %convert_element_type3A, %cond3A : i32
    scf.if %cond3A_9 {
      %mul3A_32 = arith.constant 6400 : i32
      %mul3A_33 = arith.muli %arg1, %mul3A_32 : i32
      %mul3A_34 = arith.constant 6400 : i32
      %mul3A_35 = arith.muli %arg1, %mul3A_34 : i32
      "tpu.region"() ({
        %run_scoped3A = tpu.sem_alloc : memref<!tpu.dma_semaphore, #tpu.memory_space<semaphore_mem>>
        %dma_start3A_36 = tpu.memref_slice %arg5[%mul3A_35] : memref<100000xi32, #tpu.memory_space<vmem_shared>> -> memref<6400xi32, #tpu.memory_space<vmem_shared>>
        %dma_start3A_37 = tpu.memref_slice %arg3[%mul3A_33] : memref<100000xi32, #tpu.memory_space<hbm>> -> memref<6400xi32, #tpu.memory_space<hbm>>
        tpu.enqueue_dma source(%dma_start3A_37 : memref<6400xi32, #tpu.memory_space<hbm>>) target(%dma_start3A_36 : memref<6400xi32, #tpu.memory_space<vmem_shared>>) target_semaphore(%run_scoped3A : memref<!tpu.dma_semaphore, #tpu.memory_space<semaphore_mem>>)
        %dma_wait3A_38 = tpu.memref_slice %arg5[%mul3A_35] : memref<100000xi32, #tpu.memory_space<vmem_shared>> -> memref<6400xi32, #tpu.memory_space<vmem_shared>>
        %dma_wait3A_39 = tpu.memref_slice %arg3[%mul3A_33] : memref<100000xi32, #tpu.memory_space<hbm>> -> memref<6400xi32, #tpu.memory_space<hbm>>
        tpu.wait_dma2 semaphore(%run_scoped3A : memref<!tpu.dma_semaphore, #tpu.memory_space<semaphore_mem>>) src(%dma_wait3A_39 : memref<6400xi32, #tpu.memory_space<hbm>>) dst(%dma_wait3A_38 : memref<6400xi32, #tpu.memory_space<vmem_shared>>)
        tpu.yield
      }) : () -> ()
    } else {
    }
    %eq3A = arith.constant 15 : i32
    %eq3A_10 = arith.cmpi eq, %arg1, %eq3A : i32
    %convert_element_type3A_11 = arith.extui %eq3A_10 : i1 to i32
    %cond3A_12 = arith.constant 0 : i32
    %cond3A_13 = arith.cmpi ne, %convert_element_type3A_11, %cond3A_12 : i32
    scf.if %cond3A_13 {
      "tpu.region"() ({
        %run_scoped3A = tpu.sem_alloc : memref<!tpu.dma_semaphore, #tpu.memory_space<semaphore_mem>>
        %dma_start3A_32 = arith.constant 96000 : i32
        %dma_start3A_33 = tpu.memref_slice %arg5[%dma_start3A_32] : memref<100000xi32, #tpu.memory_space<vmem_shared>> -> memref<4000xi32, #tpu.memory_space<vmem_shared>>
        %dma_start3A_34 = arith.constant 96000 : i32
        %dma_start3A_35 = tpu.memref_slice %arg3[%dma_start3A_34] : memref<100000xi32, #tpu.memory_space<hbm>> -> memref<4000xi32, #tpu.memory_space<hbm>>
        tpu.enqueue_dma source(%dma_start3A_35 : memref<4000xi32, #tpu.memory_space<hbm>>) target(%dma_start3A_33 : memref<4000xi32, #tpu.memory_space<vmem_shared>>) target_semaphore(%run_scoped3A : memref<!tpu.dma_semaphore, #tpu.memory_space<semaphore_mem>>)
        %dma_wait3A_36 = arith.constant 96000 : i32
        %dma_wait3A_37 = tpu.memref_slice %arg5[%dma_wait3A_36] : memref<100000xi32, #tpu.memory_space<vmem_shared>> -> memref<4000xi32, #tpu.memory_space<vmem_shared>>
        %dma_wait3A_38 = arith.constant 96000 : i32
        %dma_wait3A_39 = tpu.memref_slice %arg3[%dma_wait3A_38] : memref<100000xi32, #tpu.memory_space<hbm>> -> memref<4000xi32, #tpu.memory_space<hbm>>
        tpu.wait_dma2 semaphore(%run_scoped3A : memref<!tpu.dma_semaphore, #tpu.memory_space<semaphore_mem>>) src(%dma_wait3A_39 : memref<4000xi32, #tpu.memory_space<hbm>>) dst(%dma_wait3A_37 : memref<4000xi32, #tpu.memory_space<vmem_shared>>)
        tpu.yield
      }) : () -> ()
    } else {
    }
    %barrier3A = arith.constant 0 : index
    tpu.barrier barrier_id(%barrier3A)
    "tpu.region"() ({
      %run_scoped3A = tpu.sem_alloc : memref<!tpu.dma_semaphore, #tpu.memory_space<semaphore_mem>>
      tpu.enqueue_dma source(%arg5 : memref<100000xi32, #tpu.memory_space<vmem_shared>>) target(%arg6 : memref<100000xi32, #tpu.memory_space<vmem>>) target_semaphore(%run_scoped3A : memref<!tpu.dma_semaphore, #tpu.memory_space<semaphore_mem>>)
      tpu.wait_dma2 semaphore(%run_scoped3A : memref<!tpu.dma_semaphore, #tpu.memory_space<semaphore_mem>>) src(%arg5 : memref<100000xi32, #tpu.memory_space<vmem_shared>>) dst(%arg6 : memref<100000xi32, #tpu.memory_space<vmem>>)
      tpu.yield
    }) : () -> ()
    %iota3A = tpu.iota {dimensions = array<i32: 0>} : vector<16xi32>
    %get3A = arith.constant 0 : index
    %get3A_14 = tpu.vector_load %arg6[%get3A] {strides = array<i32>} : memref<100000xi32, #tpu.memory_space<vmem>>, vector<16xi32>,
    %eq3A_15 = arith.constant 0 : i32
    %eq3A_16 = vector.broadcast %eq3A_15 : i32 to vector<16xi32>
    %eq3A_17 = arith.cmpi eq, %iota3A, %eq3A_16 : vector<16xi32>
    %broadcast_in_dim3A = arith.constant 0 : i32
    %broadcast_in_dim3A_18 = vector.broadcast %broadcast_in_dim3A : i32 to vector<16xi32>
    %select_n3A = arith.select %eq3A_17, %broadcast_in_dim3A_18, %get3A_14 : vector<16xi1>, vector<16xi32>
    %swap3A = arith.constant 0 : index
    %swap3A_19 = tpu.vector_load %arg6[%swap3A] {strides = array<i32>} : memref<100000xi32, #tpu.memory_space<vmem>>, vector<16xi32>,
    tpu.vector_store %arg6[%swap3A], %select_n3A {strides = array<i32>} : memref<100000xi32, #tpu.memory_space<vmem>>, vector<16xi32>,
    %scan3A = arith.constant 0 : i32
    %scan3A_20 = arith.constant 0 : i32
    %scan3A_21 = arith.constant 10 : i32
    %scan3A_22 = arith.addi %scan3A_20, %scan3A_21 : i32
    %scan3A_23 = arith.constant 1 : i32
    scf.for %scan3A_32 = %scan3A_20 to %scan3A_22 step %scan3A_23  : i32 {
      %mul3A_33 = arith.constant 2 : i32
      %mul3A_34 = arith.muli %mul3A_33, %scan3A_32 : i32
      %add3A_35 = arith.constant 0 : i32
      %add3A_36 = arith.addi %mul3A_34, %add3A_35 : i32
      %mul3A_37 = arith.constant 5120 : i32
      %mul3A_38 = arith.muli %add3A_36, %mul3A_37 : i32
      %add3A_39 = arith.addi %mul3A_2, %mul3A_38 : i32
      %dma_wait3A_40 = tpu.memref_slice %arg2[%add3A_39] : memref<3276800xi32, #tpu.memory_space<hbm>> -> memref<5120xi32, #tpu.memory_space<hbm>>
      %dma_wait3A_41 = tpu.memref_slice %arg2[%add3A_39] : memref<3276800xi32, #tpu.memory_space<hbm>> -> memref<5120xi32, #tpu.memory_space<hbm>>
      tpu.wait_dma2 semaphore(%arg11 : memref<!tpu.dma_semaphore, #tpu.memory_space<semaphore_mem>>) src(%dma_wait3A_41 : memref<5120xi32, #tpu.memory_space<hbm>>) dst(%arg7 : memref<5120xi32, #tpu.memory_space<vmem>>)
      %ge3A = arith.constant 2 : i32
      %ge3A_42 = arith.cmpi sge, %add3A_36, %ge3A : i32
      %convert_element_type3A_43 = arith.extui %ge3A_42 : i1 to i32
      %cond3A_44 = arith.constant 0 : i32
      %cond3A_45 = arith.cmpi ne, %convert_element_type3A_43, %cond3A_44 : i32
      scf.if %cond3A_45 {
        %sub3A = arith.constant 10240 : i32
        %sub3A_83 = arith.subi %add3A_39, %sub3A : i32
        %dma_wait3A_84 = tpu.memref_slice %arg4[%sub3A_83] : memref<3276800xi32, #tpu.memory_space<hbm>> -> memref<5120xi32, #tpu.memory_space<hbm>>
        %dma_wait3A_85 = tpu.memref_slice %arg4[%sub3A_83] : memref<3276800xi32, #tpu.memory_space<hbm>> -> memref<5120xi32, #tpu.memory_space<hbm>>
        tpu.wait_dma2 semaphore(%arg13 : memref<!tpu.dma_semaphore, #tpu.memory_space<semaphore_mem>>) src(%arg9 : memref<5120xi32, #tpu.memory_space<vmem>>) dst(%dma_wait3A_85 : memref<5120xi32, #tpu.memory_space<hbm>>)
      } else {
      }
      %parallel_loop3A = arith.constant 0 : i32
      %parallel_loop3A_46 = arith.constant 5120 : i32
      %parallel_loop3A_47 = arith.constant 16 : i32
      scf.for %parallel_loop3A_83 = %parallel_loop3A to %parallel_loop3A_46 step %parallel_loop3A_47  : i32 {
        %parallel_loop3A_84 = arith.index_cast %parallel_loop3A_83 : i32 to index
        %parallel_loop3A_85 = tpu.vector_load %arg7[%parallel_loop3A_84] {strides = array<i32>} : memref<5120xi32, #tpu.memory_space<vmem>>, vector<16xi32>,
        %parallel_loop3A_86 = tpu.vector_load_idx %arg6[%parallel_loop3A_85] : memref<100000xi32, #tpu.memory_space<vmem>>[vector<16xi32>], vector<16xi32>,
        %parallel_loop3A_87 = arith.index_cast %parallel_loop3A_83 : i32 to index
        %parallel_loop3A_88 = tpu.vector_load %arg9[%parallel_loop3A_87] {strides = array<i32>} : memref<5120xi32, #tpu.memory_space<vmem>>, vector<16xi32>,
        tpu.vector_store %arg9[%parallel_loop3A_87], %parallel_loop3A_86 {strides = array<i32>} : memref<5120xi32, #tpu.memory_space<vmem>>, vector<16xi32>,
      } {sc.loop_unroll_factor = 8 : i64, sc.parallel_access}
      %dma_start3A_48 = tpu.memref_slice %arg4[%add3A_39] : memref<3276800xi32, #tpu.memory_space<hbm>> -> memref<5120xi32, #tpu.memory_space<hbm>>
      %dma_start3A_49 = tpu.memref_slice %arg4[%add3A_39] : memref<3276800xi32, #tpu.memory_space<hbm>> -> memref<5120xi32, #tpu.memory_space<hbm>>
      tpu.enqueue_dma source(%arg9 : memref<5120xi32, #tpu.memory_space<vmem>>) target(%dma_start3A_49 : memref<5120xi32, #tpu.memory_space<hbm>>) target_semaphore(%arg13 : memref<!tpu.dma_semaphore, #tpu.memory_space<semaphore_mem>>)
      %add3A_50 = arith.constant 2 : i32
      %add3A_51 = arith.addi %add3A_36, %add3A_50 : i32
      %lt3A_52 = arith.constant 20 : i32
      %lt3A_53 = arith.cmpi slt, %add3A_51, %lt3A_52 : i32
      %convert_element_type3A_54 = arith.extui %lt3A_53 : i1 to i32
      %cond3A_55 = arith.constant 0 : i32
      %cond3A_56 = arith.cmpi ne, %convert_element_type3A_54, %cond3A_55 : i32
      scf.if %cond3A_56 {
        %add3A_83 = arith.constant 10240 : i32
        %add3A_84 = arith.addi %add3A_39, %add3A_83 : i32
        %dma_start3A_85 = tpu.memref_slice %arg2[%add3A_84] : memref<3276800xi32, #tpu.memory_space<hbm>> -> memref<5120xi32, #tpu.memory_space<hbm>>
        %dma_start3A_86 = tpu.memref_slice %arg2[%add3A_84] : memref<3276800xi32, #tpu.memory_space<hbm>> -> memref<5120xi32, #tpu.memory_space<hbm>>
        tpu.enqueue_dma source(%dma_start3A_86 : memref<5120xi32, #tpu.memory_space<hbm>>) target(%arg7 : memref<5120xi32, #tpu.memory_space<vmem>>) target_semaphore(%arg11 : memref<!tpu.dma_semaphore, #tpu.memory_space<semaphore_mem>>)
      } else {
      }
      %mul3A_57 = arith.constant 2 : i32
      %mul3A_58 = arith.muli %mul3A_57, %scan3A_32 : i32
      %add3A_59 = arith.constant 1 : i32
      %add3A_60 = arith.addi %mul3A_58, %add3A_59 : i32
      %mul3A_61 = arith.constant 5120 : i32
      %mul3A_62 = arith.muli %add3A_60, %mul3A_61 : i32
      %add3A_63 = arith.addi %mul3A_2, %mul3A_62 : i32
      %dma_wait3A_64 = tpu.memref_slice %arg2[%add3A_63] : memref<3276800xi32, #tpu.memory_space<hbm>> -> memref<5120xi32, #tpu.memory_space<hbm>>
      %dma_wait3A_65 = tpu.memref_slice %arg2[%add3A_63] : memref<3276800xi32, #tpu.memory_space<hbm>> -> memref<5120xi32, #tpu.memory_space<hbm>>
      tpu.wait_dma2 semaphore(%arg12 : memref<!tpu.dma_semaphore, #tpu.memory_space<semaphore_mem>>) src(%dma_wait3A_65 : memref<5120xi32, #tpu.memory_space<hbm>>) dst(%arg8 : memref<5120xi32, #tpu.memory_space<vmem>>)
      %ge3A_66 = arith.constant 2 : i32
      %ge3A_67 = arith.cmpi sge, %add3A_60, %ge3A_66 : i32
      %convert_element_type3A_68 = arith.extui %ge3A_67 : i1 to i32
      %cond3A_69 = arith.constant 0 : i32
      %cond3A_70 = arith.cmpi ne, %convert_element_type3A_68, %cond3A_69 : i32
      scf.if %cond3A_70 {
        %sub3A = arith.constant 10240 : i32
        %sub3A_83 = arith.subi %add3A_63, %sub3A : i32
        %dma_wait3A_84 = tpu.memref_slice %arg4[%sub3A_83] : memref<3276800xi32, #tpu.memory_space<hbm>> -> memref<5120xi32, #tpu.memory_space<hbm>>
        %dma_wait3A_85 = tpu.memref_slice %arg4[%sub3A_83] : memref<3276800xi32, #tpu.memory_space<hbm>> -> memref<5120xi32, #tpu.memory_space<hbm>>
        tpu.wait_dma2 semaphore(%arg14 : memref<!tpu.dma_semaphore, #tpu.memory_space<semaphore_mem>>) src(%arg10 : memref<5120xi32, #tpu.memory_space<vmem>>) dst(%dma_wait3A_85 : memref<5120xi32, #tpu.memory_space<hbm>>)
      } else {
      }
      %parallel_loop3A_71 = arith.constant 0 : i32
      %parallel_loop3A_72 = arith.constant 5120 : i32
      %parallel_loop3A_73 = arith.constant 16 : i32
      scf.for %parallel_loop3A_83 = %parallel_loop3A_71 to %parallel_loop3A_72 step %parallel_loop3A_73  : i32 {
        %parallel_loop3A_84 = arith.index_cast %parallel_loop3A_83 : i32 to index
        %parallel_loop3A_85 = tpu.vector_load %arg8[%parallel_loop3A_84] {strides = array<i32>} : memref<5120xi32, #tpu.memory_space<vmem>>, vector<16xi32>,
        %parallel_loop3A_86 = tpu.vector_load_idx %arg6[%parallel_loop3A_85] : memref<100000xi32, #tpu.memory_space<vmem>>[vector<16xi32>], vector<16xi32>,
        %parallel_loop3A_87 = arith.index_cast %parallel_loop3A_83 : i32 to index
        %parallel_loop3A_88 = tpu.vector_load %arg10[%parallel_loop3A_87] {strides = array<i32>} : memref<5120xi32, #tpu.memory_space<vmem>>, vector<16xi32>,
        tpu.vector_store %arg10[%parallel_loop3A_87], %parallel_loop3A_86 {strides = array<i32>} : memref<5120xi32, #tpu.memory_space<vmem>>, vector<16xi32>,
      } {sc.loop_unroll_factor = 8 : i64, sc.parallel_access}
      %dma_start3A_74 = tpu.memref_slice %arg4[%add3A_63] : memref<3276800xi32, #tpu.memory_space<hbm>> -> memref<5120xi32, #tpu.memory_space<hbm>>
      %dma_start3A_75 = tpu.memref_slice %arg4[%add3A_63] : memref<3276800xi32, #tpu.memory_space<hbm>> -> memref<5120xi32, #tpu.memory_space<hbm>>
      tpu.enqueue_dma source(%arg10 : memref<5120xi32, #tpu.memory_space<vmem>>) target(%dma_start3A_75 : memref<5120xi32, #tpu.memory_space<hbm>>) target_semaphore(%arg14 : memref<!tpu.dma_semaphore, #tpu.memory_space<semaphore_mem>>)
      %add3A_76 = arith.constant 2 : i32
      %add3A_77 = arith.addi %add3A_60, %add3A_76 : i32
      %lt3A_78 = arith.constant 20 : i32
      %lt3A_79 = arith.cmpi slt, %add3A_77, %lt3A_78 : i32
      %convert_element_type3A_80 = arith.extui %lt3A_79 : i1 to i32
      %cond3A_81 = arith.constant 0 : i32
      %cond3A_82 = arith.cmpi ne, %convert_element_type3A_80, %cond3A_81 : i32
      scf.if %cond3A_82 {
        %add3A_83 = arith.constant 10240 : i32
        %add3A_84 = arith.addi %add3A_63, %add3A_83 : i32
        %dma_start3A_85 = tpu.memref_slice %arg2[%add3A_84] : memref<3276800xi32, #tpu.memory_space<hbm>> -> memref<5120xi32, #tpu.memory_space<hbm>>
        %dma_start3A_86 = tpu.memref_slice %arg2[%add3A_84] : memref<3276800xi32, #tpu.memory_space<hbm>> -> memref<5120xi32, #tpu.memory_space<hbm>>
        tpu.enqueue_dma source(%dma_start3A_86 : memref<5120xi32, #tpu.memory_space<hbm>>) target(%arg8 : memref<5120xi32, #tpu.memory_space<vmem>>) target_semaphore(%arg12 : memref<!tpu.dma_semaphore, #tpu.memory_space<semaphore_mem>>)
      } else {
      }
    }
    %scan3A_24 = arith.constant 10 : i32
    %add3A_25 = arith.constant 92160 : i32
    %add3A_26 = arith.addi %mul3A_2, %add3A_25 : i32
    %dma_wait3A = tpu.memref_slice %arg4[%add3A_26] : memref<3276800xi32, #tpu.memory_space<hbm>> -> memref<5120xi32, #tpu.memory_space<hbm>>
    %dma_wait3A_27 = tpu.memref_slice %arg4[%add3A_26] : memref<3276800xi32, #tpu.memory_space<hbm>> -> memref<5120xi32, #tpu.memory_space<hbm>>
    tpu.wait_dma2 semaphore(%arg13 : memref<!tpu.dma_semaphore, #tpu.memory_space<semaphore_mem>>) src(%arg9 : memref<5120xi32, #tpu.memory_space<vmem>>) dst(%dma_wait3A_27 : memref<5120xi32, #tpu.memory_space<hbm>>)
    %add3A_28 = arith.constant 97280 : i32
    %add3A_29 = arith.addi %mul3A_2, %add3A_28 : i32
    %dma_wait3A_30 = tpu.memref_slice %arg4[%add3A_29] : memref<3276800xi32, #tpu.memory_space<hbm>> -> memref<5120xi32, #tpu.memory_space<hbm>>
    %dma_wait3A_31 = tpu.memref_slice %arg4[%add3A_29] : memref<3276800xi32, #tpu.memory_space<hbm>> -> memref<5120xi32, #tpu.memory_space<hbm>>
    tpu.wait_dma2 semaphore(%arg14 : memref<!tpu.dma_semaphore, #tpu.memory_space<semaphore_mem>>) src(%arg10 : memref<5120xi32, #tpu.memory_space<vmem>>) dst(%dma_wait3A_31 : memref<5120xi32, #tpu.memory_space<hbm>>)
    return
  }
}

</mosaic_0001>

<sc_bundles>
// kernel: kernel.3.cloned.1.call-start
scs
__scs_entry_jumppad:
0x0: {  	(pc) =	sbr.rel $0x88, $3  }
0x1: {  	(tag) =	ssettag $0x0;
	lr =	simm.s32 $0x1  }
0x2: {  	[smem:$0x3F9F] =	sst lr;
	_ =	strace $0xD0000000  }
0x3: {  	_ = 	snop  }
0x4: {  	_ = 	snop  }
0x5: {  	_ = 	snop  }
0x6: {  	_ = 	snop  }
0x7: {  	_ = 	snop  }
__scs_overlays_trampoline_lowered:
0x8: {  	[smem:$0x3FAE] =	sst s0  }
0x9: {  	[smem:$0x3FAF] =	sst s1  }
0xa: {  	[smem:$0x3FB0] =	sst s2  }
0xb: {  	[smem:$0x3FB1] =	sst s3  }
0xc: {  	[smem:$0x3FB2] =	sst s4  }
0xd: {  	[smem:$0x3FB3] =	sst s5  }
0xe: {  	[smem:$0x3FB4] =	sst s6  }
0xf: {  	[smem:$0x3FB5] =	sst s7  }
0x10: {  	[smem:$0x3FB6] =	sst s8  }
0x11: {  	[smem:$0x3FB7] =	sst s9;
	s0 =	simm.s32 @!p0 $0x0  }
0x12: {  	s1 =	sld [smem:$0x3F9D];
	s0 =	simm.s32 @p0 $0x1  }
0x13: {  	[smem:$0x3FB8] =	sst s0;
	s0 =	simm.s32 @!p1 $0x0  }
0x14: {  	s2 =	sld [smem:$0x3F9C];
	s0 =	simm.s32 @p1 $0x1  }
0x15: {  	[smem:$0x3FB9] =	sst s0;
	s0 =	simm.s32 @!p2 $0x0  }
0x16: {  	s3 =	sld [smem:$0x3FDB];
	s0 =	simm.s32 @p2 $0x1  }
0x17: {  	s4 =	simm.s32 $0x1BF5;
	[smem:$0x3FBB] =	sst s0  }
0x18: {  	s0 =	sld [smem:$0x3F9E];
	_ =	swait.ge [sflag:s4], $0x0  }
0x19: {  	s7 =	sld [smem:$0x3F9F]  }
0x1a: {  	s8 =	sadd.s32 $0xFFFFE003, lr  }
0x1b: {  	s9 =	sadd.s32 $0xFFFFFEF7, lr;
	s5 =	simm.s32 $0xFFFFFFFF;
	p2 =	slt.u32 s8, $0xFFFFF086  }
0x1c: {  	p1 =	slt.u32 s9, $0xF7A;
	s5 =	simm.s32 @!p2 $0x0  }
0x1d: {  	s5 =	simm.s32 @p1 $0x1;
	p0 =	seq.s32 s7, s2  }
0x1e: {  	s7 =	smul.u32 @!p0 $0xF7A, s2;
	p2 =	seq.s32 @!p0 s5, $0x0  }
0x1f: {  	s9 =	smul.u32 $0xF7A, s1;
	s8 =	simm.s32 @!p0 $0x1BF5;
	p2 =	por !p2, p0  }
0x20: {  	[sflag:s8] =	ssyncset.s32 @!p0 $0xFFFFF086;
	s6 =	sadd.s32 @!p0 s3, s7;
	s7 =	simm.s32 @!p0 $0x108  }
0x21: {  	s3 =	sadd.s32 s3, s9;
	s6 =	sadd.s32 @!p0 $0x88, s6;
	s7 =	simm.s32 @p2 $0x1082  }
0x22: {  	[simem:s7], [sflag:s8] =	dma.local @!p0 [hbm:s6], $0xF7A  }
0x23: {  	s9 =	sor.u32 $0xD0000000, s2;
	s6 =	simm.s32 $0x108;
	_ =	swait.ge @!p0 [sflag:s8], $0x0  }
0x24: {  	s3 =	sadd.s32 $0x88, s3;
	s6 =	simm.s32 @!p1 $0x1082;
	[sflag:s4] =	ssyncset.s32 $0xFFFFF086  }
0x25: {  	[simem:s6], [sflag:s4] =	dma.local [hbm:s3], $0xF7A  }
0x26: {  	[smem:$0x3F9F] =	sst s1;
	(tag) =	ssettag s2;
	_ =	strace s9  }
0x27: {  	s1 =	sld [smem:$0x3FAF]  }
0x28: {  	s2 =	sld [smem:$0x3FB0]  }
0x29: {  	s4 =	sld [smem:$0x3FB2]  }
0x2a: {  	p0 =	seq.s32 s5, $0x0;
	s5 =	sld [smem:$0x3FB3]  }
0x2b: {  	s6 =	sld [smem:$0x3FB4]  }
0x2c: {  	s7 =	sld [smem:$0x3FB5]  }
0x2d: {  	s3 =	simm.s32 $0x108;
	s8 =	sld [smem:$0x3FB6]  }
0x2e: {  	s3 =	simm.s32 @!p0 $0x1082;
	s9 =	sld [smem:$0x3FB7]  }
0x2f: {  	lr =	sadd.s32 s0, s3;
	s0 =	sld [smem:$0x3FAE]  }
0x30: {  	s3 =	sld [smem:$0x3FB1]  }
0x31: {  	[smem:$0x3FBA] =	sst s10  }
0x32: {  	s10 =	sld [smem:$0x3FB8];
	_ =	sdelay $0x3  }
0x33: {  	p0 =	seq.s32 s10, $0x1;
	s10 =	sld [smem:$0x3FBA];
	_ =	sdelay $0x3  }
0x34: {  	[smem:$0x3FBA] =	sst s10  }
0x35: {  	s10 =	sld [smem:$0x3FB9];
	_ =	sdelay $0x3  }
0x36: {  	p1 =	seq.s32 s10, $0x1;
	s10 =	sld [smem:$0x3FBA];
	_ =	sdelay $0x3  }
0x37: {  	[smem:$0x3FBA] =	sst s10  }
0x38: {  	s10 =	sld [smem:$0x3FBB]  }
0x39: {  	_ = 	snop;
	(pc) =	sbr.ind lr, $3  }
0x3a: {  	_ = 	snop  }
0x3b: {  	_ = 	snop  }
0x3c: {  	p2 =	seq.s32 s10, $0x1;
	s10 =	sld [smem:$0x3FBA]  }
0x3d: {  	_ =	shalt  }
0x3e: {  	_ =	shalt  }
0x3f: {  	_ =	shalt  }
0x40: {  	_ =	shalt  }
0x41: {  	_ =	shalt  }
0x42: {  	_ =	shalt  }
0x43: {  	_ =	shalt  }
0x44: {  	_ =	shalt  }
0x45: {  	_ =	shalt  }
0x46: {  	_ =	shalt  }
0x47: {  	_ =	shalt  }
0x48: {  	_ =	shalt  }
0x49: {  	_ =	shalt  }
0x4a: {  	_ =	shalt  }
0x4b: {  	_ =	shalt  }
0x4c: {  	_ =	shalt  }
0x4d: {  	_ =	shalt  }
0x4e: {  	_ =	shalt  }
0x4f: {  	_ =	shalt  }
0x50: {  	_ =	shalt  }
0x51: {  	_ =	shalt  }
0x52: {  	_ =	shalt  }
0x53: {  	_ =	shalt  }
0x54: {  	_ =	shalt  }
0x55: {  	_ =	shalt  }
0x56: {  	_ =	shalt  }
0x57: {  	_ =	shalt  }
0x58: {  	_ =	shalt  }
0x59: {  	_ =	shalt  }
0x5a: {  	_ =	shalt  }
0x5b: {  	_ =	shalt  }
0x5c: {  	_ =	shalt  }
0x5d: {  	_ =	shalt  }
0x5e: {  	_ =	shalt  }
0x5f: {  	_ =	shalt  }
0x60: {  	_ =	shalt  }
0x61: {  	_ =	shalt  }
0x62: {  	_ =	shalt  }
0x63: {  	_ =	shalt  }
0x64: {  	_ =	shalt  }
0x65: {  	_ =	shalt  }
0x66: {  	_ =	shalt  }
0x67: {  	_ =	shalt  }
0x68: {  	_ =	shalt  }
0x69: {  	_ =	shalt  }
0x6a: {  	_ =	shalt  }
0x6b: {  	_ =	shalt  }
0x6c: {  	_ =	shalt  }
0x6d: {  	_ =	shalt  }
0x6e: {  	_ =	shalt  }
0x6f: {  	_ =	shalt  }
0x70: {  	_ =	shalt  }
0x71: {  	_ =	shalt  }
0x72: {  	_ =	shalt  }
0x73: {  	_ =	shalt  }
0x74: {  	_ =	shalt  }
0x75: {  	_ =	shalt  }
0x76: {  	_ =	shalt  }
0x77: {  	_ =	shalt  }
0x78: {  	_ =	shalt  }
0x79: {  	_ =	shalt  }
0x7a: {  	_ =	shalt  }
0x7b: {  	_ =	shalt  }
0x7c: {  	_ =	shalt  }
0x7d: {  	_ =	shalt  }
0x7e: {  	_ =	shalt  }
0x7f: {  	_ =	shalt  }
0x80: {  	_ =	shalt  }
0x81: {  	_ =	shalt  }
0x82: {  	_ =	shalt  }
0x83: {  	_ =	shalt  }
0x84: {  	_ =	shalt  }
0x85: {  	_ =	shalt  }
0x86: {  	_ =	shalt  }
0x87: {  	_ =	shalt  }
.Lfunc_end0:
.L_simem_size_0:
called_computation_lowered:
.L_overlay_start_0:
0x88: {  	s2 =	sld [smem:$0x3FD9]  }
0x89: {  	s3 =	sld [smem:$0x3FFE];
	_ =	sdelay $0x1  }
0x8a: {  	s1 =	srdreg.scid  }
0x8b: {  	s0 =	sand.u32 $0x1, s1  }
0x8c: {  	s18 =	sshll.u32 s0, $0xA;
	s2 =	sadd.s32 s3, s2  }
0x8d: {  	s2 =	sadd.s32 s2, s18  }
0x8e: {  	[smem:$0x3FC6] =	sst s2  }
0x8f: {  	_ = 	snop  }
0x90: {  	s2 =	sld [smem:$0x3FC9]  }
0x91: {  	s19 =	sld [smem:$0x3FC8]  }
0x92: {  	s4 =	sld [smem:$0x3FD0];
	(tm) =	ssettm $0x1  }
0x93: {  	s5 =	sld [smem:$0x3FFB];
	_ =	sdelay $0x3  }
0x94: {  	_ =	strace s5  }
0x95: {  	s5 =	sld [smem:$0x3FFC];
	_ =	sdelay $0x3  }
0x96: {  	_ =	strace s5  }
0x97: {  	s5 =	sld [smem:$0x3FFD];
	_ =	sdelay $0x3  }
0x98: {  	_ =	strace s5  }
0x99: {  	_ =	strace $0x8FFFFFFF  }
0x9a: {  	s20 =	sld [smem:$0x3FDB];
	_ =	sdelay $0x1  }
0x9b: {  	s6 =	simm.s32 $_scs_section_size  }
0x9c: {  	s7 =	simm.s32 $_size__tile_overlayer_lowered;
	s8 =	simm.s32 $_tile_overlayer_lowered  }
0x9d: {  	s23 =	simm.s32 $0x1BFF;
	s22 =	sshll.u32 s8, $0x1;
	s5 =	sadd.s32 s6, s20  }
0x9e: {  	s9 =	simm.s32 $0x0;
	s21 =	sshll.u32 s7, $0x1;
	s7 =	sadd.s32 s22, s5  }
0x9f: {  	[timem:s9], [sflag:s23] =	dma.local [hbm:s7], s21  }
0xa0: {  	_ =	swait.ge [sflag:s23], s21  }
0xa1: {  	s6 =	ssub.s32 $0x0, s21;
	[sflag:s23] =	ssyncset.done $0x0  }
0xa2: {  	[sflag:s23] =	ssyncadd.s32 s6;
	_ =	sdelay $0x1  }
0xa3: {  	s24 =	simm.s32 $0x1B8B  }
0xa4: {  	_ =	swait.ge [sflag:s24], $0x1  }
0xa5: {  	[sflag:s24] =	ssyncset.done $0x0  }
0xa6: {  	s25 =	simm.s32 $0x1B8E;
	[sflag:s24] =	ssyncadd.s32 $0xFFFFFFFF  }
0xa7: {  	s26 =	simm.s32 $execute0_lowered;
	[smem:$0x3FD2] =	sst s25  }
0xa8: {  	s6 =	sshll.u32 s26, $0x1;
	_ =	strace $0x80000046;
	[dreg:$0x1] =	wrdreg $0xFFFFFFFF  }
0xa9: {  	s28 =	simm.s32 $_size_execute0_lowered;
	s5 =	sadd.s32 s5, s6;
	[dreg:$0x0] =	wrdreg $0x0  }
0xaa: {  	s6 =	sshll.u32 s28, $0x1;
	[dreg:$0x2] =	wrdreg s5  }
0xab: {  	[dreg:$0x3] =	wrdreg s6  }
0xac: {  	[dreg:$0x4] =	wrdreg $0xC0  }
0xad: {  	_ =	task [dreg:s9], $0x5FFFF  }
0xae: {  	[dreg:$0x1] =	wrdreg $0xFFFFFFFF  }
0xaf: {  	[dreg:$0x0] =	wrdreg $0x60  }
0xb0: {  	[dreg:$0x2] =	wrdreg s2  }
0xb1: {  	[dreg:$0x3] =	wrdreg s19  }
0xb2: {  	[dreg:$0x4] =	wrdreg s4  }
0xb3: {  	[dreg:$0x5] =	wrdreg $0x0  }
0xb4: {  	[dreg:$0x6] =	wrdreg $0x9  }
0xb5: {  	_ =	task.clear_ibuf [dreg:s9], $0x7FFFF;
	_ =	strace $0x90000046  }
0xb6: {  	s29 =	simm.s32 $0x9;
	_ =	strace $0x80000048  }
0xb7: {  	_ =	swait.ge [sflag:s29], $0x1  }
0xb8: {  	[sflag:s29] =	ssyncadd.s32 $0xFFFFFFFF  }
0xb9: {  	_ =	strace $0x90000048  }
0xba: {  	_ =	sfence  }
0xbb: {  	s30 =	sld [smem:$0x0];
	_ =	sdelay $0x2  }
0xbc: {  	s31 =	sshll.u32 s1, $0xD;
	s1 =	sshrl.u32 s1, $0x2  }
0xbd: {  	s3 =	sand.u32 $0x4000, s31;
	s1 =	sadd.s32 s1, s30  }
0xbe: {  	s0 =	sor.u32 s3, s0;
	s1 =	sshll.u32 s1, $0x11  }
0xbf: {  	s0 =	sor.u32 s1, s0  }
0xc0: {  	s0 =	sadd.s32 $0x8F2B, s0  }
0xc1: {  	[sflag:s0] =	ssyncadd.remote.s32 $0x1  }
0xc2: {  	_ =	sfence.sel $0xFFFF  }
0xc3: {  	[dreg:$0x0] =	wrdreg $0xFFFFFFFF;
	(pc) =	sbr.abs _section_cstart, $3  }
0xc4: {  	[dreg:$0x1] =	wrdreg $0xFFFFFFFF  }
0xc5: {  	_ =	task.clear_ibuf [dreg:s9], $0x2FFFF;
	_ =	strace $0x9FFFFFFF  }
0xc6: {  	(tm) =	ssettm $0x7FFFFFFF  }
0xc7: {  	_ =	shalt  }
tec
execute0_lowered:
.L_overlay_start_1:
0x0: {  	(tag) =	ssettag $0x1  }
0x1: {  	s1 =	rddreg [dreg:$0x0]  }
0x2: {  	s0 =	rddreg [dreg:$0x1]  }
0x3: {  	s3 =	rddreg [dreg:$0x2];
	s2 =	srdreg.scid  }
0x4: {  	s16 =	stileid.u32;
	s4 =	rddreg [dreg:$0x3]  }
0x5: {  	s5 =	simm.s32 $0x0;
	s13 =	simm.s32 $0x19F10;
	s14 =	simm.s32 $0x1B310  }
0x6: {  	s18 =	simm.s32 $0x1870;
	s19 =	simm.s32 $0x5;
	s20 =	simm.s32 $0x1  }
0x7: {  	s21 =	simm.s32 $0x1C710;
	s22 =	simm.s32 $0x2;
	s23 =	simm.s32 $0x1DB10  }
0x8: {  	s24 =	simm.s32 $0x3;
	s25 =	simm.s32 $0x4;
	s26 =	simm.s32 $0x0  }
0x9: {  	s2 =	sand.u32 $0x1, s2;
	s6 =	sshll.u32 s16, $0x1;
	[smem:$0x7FF] =	sst s5  }
0xa: {  	s10 =	smul.u32 $0x1900, s16;
	s15 =	sadd.s32 $0x17700, s4;
	p0 =	seq.s32 s16, $0xF  }
0xb: {  	s6 =	sor.u32 s2, s6;
	_ =	strace $0x80000047;
	s2 =	ssub.s32 $0x2, s2  }
0xc: {  	s15 =	sshrl.u32 @p0 s15, $0x3;
	s6 =	smul.u32 $0x19000, s6;
	s8 =	sshrl.u32 s2, $0x1  }
.Ltmp0:
0xd: {  	s11 =	sshrl.u32 s10, $0x3;
	s17 =	sadd.s32 s10, s4;
	(pc) =	sbr.rel .LBB2_1-.Ltmp0, $4  }
0xe: {  	s2 =	ssub.s32 s2, s8;
	s10 =	sadd.s32 s0, s11;
	s11 =	sadd.s32 $0x2EE0, s0  }
0xf: {  	s0 =	sshll.u32 @!p0 s16, $0x6;
	s17 =	sshrl.u32 @!p0 s17, $0x3;
	s7 =	sadd.s32 $0x1400, s6  }
0x10: {  	s31 =	sshrl.u32 s6, $0x3;
	s12 =	smax.u32 s2, $0x1;
	s9 =	sshrl.u32 s7, $0x3  }
0x11: {  	v0 =	vlaneseq.u32;
	s16 =	sor.u32 @!p0 $0x1C05, s0;
	s8 =	sadd.s32 s1, s31;
	s9 =	sadd.s32 s1, s9  }
.LBB2_8:
0x12: {  	s26 =	sadd.s32 $0x1, s26  }
0x13: {  	_ =	swait.ge [sflag:s24], $0x1400;
	p1 =	sne.s32 s26, s12  }
.Ltmp1:
0x14: {  	[sflag:s24] =	ssyncset.done $0x0;
	(pc) =	sbr.rel @!p1 .LBB2_9-.Ltmp1, $4  }
0x15: {  	[sflag:s24] =	ssyncadd.s32 $0xFFFFEC00  }
0x16: {  	_ =	swait.ge [sflag:s25], $0x1400  }
0x17: {  	[sflag:s25] =	ssyncset.done $0x0  }
0x18: {  	[sflag:s25] =	ssyncadd.s32 $0xFFFFEC00  }
.LBB2_1:
0x19: {  	[tilespmem:s13], [sflag:$0x1] =	stream.linear.gather [hbm4b:s8+s5], $0x1400, $0x38;
	[tilespmem:$0x1EF10] =	vst v63  }
0x1a: {  	s0 =	simm.s32 @p0 $0x1FC5  }
0x1b: {  	[tilespmem:s14], [sflag:$0x2] =	stream.linear.gather [hbm4b:s9+s5], $0x1400, $0x38;
	[tilespmem:$0x1EF10] =	vst v63  }
0x1c: {  	[spmem:s15], [sflag:s0] =	dma.local @p0 [hbm:s11], $0x1F4  }
0x1d: {  	s0 =	simm.s32 @p0 $0x5  }
0x1e: {  	_ =	swait.ge @p0 [sflag:s0], $0x1F4  }
0x1f: {  	[sflag:s0] =	ssyncset.done @p0 $0x0  }
0x20: {  	[sflag:s0] =	ssyncadd.s32 @p0 $0xFFFFFE0C;
	s0 =	simm.s32 @!p0 $0x5  }
0x21: {  	[spmem:s17], [sflag:s16] =	dma.local @!p0 [hbm:s10], $0x320  }
0x22: {  	_ =	swait.ge @!p0 [sflag:s0], $0x320  }
0x23: {  	[sflag:s0] =	ssyncset.done @!p0 $0x0  }
0x24: {  	[sflag:s0] =	ssyncadd.s32 @!p0 $0xFFFFFCE0  }
0x25: {  	[bflag:$0x0] =	sbarrier.arrive $0xFFFF  }
0x26: {  	[tilespmem:s18], [sflag:$0x5] =	stream.linear.gather [spmem:s4], $0x186A0, $0x38;
	[tilespmem:$0x1EF10] =	vst v63  }
0x27: {  	_ =	swait.ge [sflag:s19], $0x186A0  }
0x28: {  	[sflag:s19] =	ssyncset.done $0x0  }
0x29: {  	[sflag:s19] =	ssyncadd.s32 $0xFFFE7960  }
0x2a: {  	v1 =	vld [tilespmem:$0x1870];
	_ =	sdelay $0x3  }
0x2b: {  	vm0 =	veq.s32 v0, $0x0  }
0x2c: {  	v1 =	vsel vm0, $0x0, v1  }
0x2d: {  	s28 =	simm.s32 $0x0;
	[tilespmem:$0x1870] =	vst v1  }
.LBB2_2:
0x2e: {  	_ =	swait.ge [sflag:s20], $0x1400  }
0x2f: {  	p1 =	seq.s32 s28, $0x0;
	[sflag:s20] =	ssyncset.done $0x0  }
0x30: {  	s0 =	simm.s32 @!p1 $0x3;
	[sflag:s20] =	ssyncadd.s32 $0xFFFFEC00  }
0x31: {  	_ =	swait.ge @!p1 [sflag:s0], $0x1400  }
0x32: {  	[sflag:s0] =	ssyncset.done @!p1 $0x0  }
0x33: {  	s2 =	simm.s32 $0x19F50;
	[sflag:s0] =	ssyncadd.s32 @!p1 $0xFFFFEC00  }
0x34: {  	v1 =	vld [tilespmem:s2+$0x30]  }
0x35: {  	v2 =	vld [tilespmem:s2+$0xFFFFFFD0]  }
0x36: {  	v3 =	vld [tilespmem:s2+$0xFFFFFFE0]  }
0x37: {  	v4 =	vld [tilespmem:s2+$0xFFFFFFF0]  }
0x38: {  	v6 =	vld [tilespmem:s2+$0x0]  }
0x39: {  	v7 =	vld [tilespmem:s2+$0x10]  }
0x3a: {  	v8 =	vld [tilespmem:s2+$0x20]  }
0x3b: {  	v9 =	vld [tilespmem:s2+$0xFFFFFFC0]  }
0x3c: {  	v10 =	vld.idx.msk [tilespmem:v1+s18+$0x0], $0xffff  }
0x3d: {  	v11 =	vld.idx.msk [tilespmem:v2+s18+$0x0], $0xffff  }
0x3e: {  	v5 =	vld.idx.msk [tilespmem:v3+s18+$0x0], $0xffff  }
0x3f: {  	v2 =	vld.idx.msk [tilespmem:v4+s18+$0x0], $0xffff  }
0x40: {  	v1 =	vld.idx.msk [tilespmem:v6+s18+$0x0], $0xffff  }
0x41: {  	s29 =	smul.u32 $0x2800, s28;
	s31 =	simm.s32 $0x1C750;
	v3 =	vld.idx.msk [tilespmem:v7+s18+$0x0], $0xffff  }
0x42: {  	v4 =	vld.idx.msk [tilespmem:v8+s18+$0x0], $0xffff;
	[tilespmem:s31+$0x30] =	vst v10  }
0x43: {  	s30 =	sadd.s32 s6, s29;
	s0 =	simm.s32 $0x19FD0;
	s2 =	simm.s32 $0x0;
	v6 =	vld.idx.msk [tilespmem:v9+s18+$0x0], $0xffff;
	[tilespmem:s31+$0xFFFFFFD0] =	vst v11  }
.LBB2_3:
0x44: {  	v7 =	vld [tilespmem:s0+$0x30];
	s2 =	sadd.s32 $0x80, s2;
	[tilespmem:s31+$0xFFFFFFE0] =	vst v5  }
0x45: {  	v5 =	vld [tilespmem:s0+$0xFFFFFFD0];
	p2 =	slt.u32 s2, $0x1380;
	[tilespmem:s31+$0xFFFFFFF0] =	vst v2  }
0x46: {  	v2 =	vld [tilespmem:s0+$0xFFFFFFE0];
	[tilespmem:s31+$0x0] =	vst v1  }
0x47: {  	v1 =	vld [tilespmem:s0+$0xFFFFFFF0];
	[tilespmem:s31+$0x10] =	vst v3  }
0x48: {  	v3 =	vld [tilespmem:s0+$0x0];
	[tilespmem:s31+$0x20] =	vst v4  }
0x49: {  	v4 =	vld [tilespmem:s0+$0x10];
	[tilespmem:s31+$0xFFFFFFC0] =	vst v6  }
0x4a: {  	v6 =	vld [tilespmem:s0+$0x20]  }
0x4b: {  	v8 =	vld [tilespmem:s0+$0xFFFFFFC0]  }
0x4c: {  	v7 =	vld.idx.msk [tilespmem:v7+s18+$0x0], $0xffff  }
0x4d: {  	v9 =	vld.idx.msk [tilespmem:v5+s18+$0x0], $0xffff  }
0x4e: {  	v5 =	vld.idx.msk [tilespmem:v2+s18+$0x0], $0xffff  }
.Ltmp2:
0x4f: {  	v2 =	vld.idx.msk [tilespmem:v1+s18+$0x0], $0xffff;
	(pc) =	sbr.rel @p2 .LBB2_3-.Ltmp2, $4  }
0x50: {  	v1 =	vld.idx.msk [tilespmem:v3+s18+$0x0], $0xffff  }
0x51: {  	s31 =	sadd.s32 $0x80, s31;
	v3 =	vld.idx.msk [tilespmem:v4+s18+$0x0], $0xffff  }
0x52: {  	v4 =	vld.idx.msk [tilespmem:v6+s18+$0x0], $0xffff;
	[tilespmem:s31+$0x30] =	vst v7  }
0x53: {  	s0 =	sadd.s32 $0x80, s0;
	v6 =	vld.idx.msk [tilespmem:v8+s18+$0x0], $0xffff;
	[tilespmem:s31+$0xFFFFFFD0] =	vst v9  }
0x54: {  	[tilespmem:s31+$0xFFFFFFE0] =	vst v5  }
0x55: {  	[tilespmem:s31+$0xFFFFFFF0] =	vst v2  }
0x56: {  	[tilespmem:s31+$0x0] =	vst v1  }
0x57: {  	[tilespmem:s31+$0x10] =	vst v3  }
0x58: {  	s0 =	sshrl.u32 s30, $0x3;
	[tilespmem:s31+$0x20] =	vst v4  }
0x59: {  	p2 =	seq.s32 s28, $0x9;
	s0 =	sadd.s32 s3, s0;
	[tilespmem:s31+$0xFFFFFFC0] =	vst v6  }
0x5a: {  	[hbm4b:s0+s5] =	stream.linear.scatter [tilespmem:s21], [sflag:$0x3], $0x1400, $0x38;
	[tilespmem:$0x1EF10] =	vst v63  }
0x5b: {  	s0 =	sshrl.u32 @!p2 s30, $0x3  }
0x5c: {  	s0 =	sadd.s32 @!p2 s1, s0  }
0x5d: {  	s2 =	simm.s32 @!p2 $0x0;
	s30 =	simm.s32 @!p2 $0x19F10;
	s0 =	sadd.s32 @!p2 $0x500, s0  }
0x5e: {  	[tilespmem:s30], [sflag:$0x1] =	stream.linear.gather @!p2 [hbm4b:s0+s2], $0x1400, $0x38;
	[tilespmem:$0x1EF10] =	vst v63  }
0x5f: {  	_ =	swait.ge [sflag:s22], $0x1400  }
0x60: {  	[sflag:s22] =	ssyncset.done $0x0  }
0x61: {  	s0 =	simm.s32 @!p1 $0x4;
	[sflag:s22] =	ssyncadd.s32 $0xFFFFEC00  }
0x62: {  	_ =	swait.ge @!p1 [sflag:s0], $0x1400  }
0x63: {  	[sflag:s0] =	ssyncset.done @!p1 $0x0  }
0x64: {  	s31 =	simm.s32 $0x1B350;
	[sflag:s0] =	ssyncadd.s32 @!p1 $0xFFFFEC00  }
0x65: {  	v1 =	vld [tilespmem:s31+$0x30]  }
0x66: {  	v2 =	vld [tilespmem:s31+$0xFFFFFFD0]  }
0x67: {  	v3 =	vld [tilespmem:s31+$0xFFFFFFE0]  }
0x68: {  	v4 =	vld [tilespmem:s31+$0xFFFFFFF0]  }
0x69: {  	v5 =	vld [tilespmem:s31+$0x0]  }
0x6a: {  	v7 =	vld [tilespmem:s31+$0x10]  }
0x6b: {  	v8 =	vld [tilespmem:s31+$0x20]  }
0x6c: {  	v9 =	vld [tilespmem:s31+$0xFFFFFFC0]  }
0x6d: {  	v10 =	vld.idx.msk [tilespmem:v1+s18+$0x0], $0xffff  }
0x6e: {  	v11 =	vld.idx.msk [tilespmem:v2+s18+$0x0], $0xffff  }
0x6f: {  	v6 =	vld.idx.msk [tilespmem:v3+s18+$0x0], $0xffff  }
0x70: {  	v4 =	vld.idx.msk [tilespmem:v4+s18+$0x0], $0xffff  }
0x71: {  	v1 =	vld.idx.msk [tilespmem:v5+s18+$0x0], $0xffff  }
0x72: {  	s30 =	simm.s32 $0x1DB50;
	v2 =	vld.idx.msk [tilespmem:v7+s18+$0x0], $0xffff  }
0x73: {  	v3 =	vld.idx.msk [tilespmem:v8+s18+$0x0], $0xffff;
	[tilespmem:s30+$0x30] =	vst v10  }
0x74: {  	s29 =	sadd.s32 s29, s7;
	s2 =	simm.s32 $0x0;
	s0 =	simm.s32 $0x1B3D0;
	v5 =	vld.idx.msk [tilespmem:v9+s18+$0x0], $0xffff;
	[tilespmem:s30+$0xFFFFFFD0] =	vst v11  }
.LBB2_5:
0x75: {  	v7 =	vld [tilespmem:s0+$0x30];
	s2 =	sadd.s32 $0x80, s2;
	[tilespmem:s30+$0xFFFFFFE0] =	vst v6  }
0x76: {  	v6 =	vld [tilespmem:s0+$0xFFFFFFD0];
	p1 =	slt.u32 s2, $0x1380;
	[tilespmem:s30+$0xFFFFFFF0] =	vst v4  }
0x77: {  	v4 =	vld [tilespmem:s0+$0xFFFFFFE0];
	[tilespmem:s30+$0x0] =	vst v1  }
0x78: {  	v1 =	vld [tilespmem:s0+$0xFFFFFFF0];
	[tilespmem:s30+$0x10] =	vst v2  }
0x79: {  	v2 =	vld [tilespmem:s0+$0x0];
	[tilespmem:s30+$0x20] =	vst v3  }
0x7a: {  	v3 =	vld [tilespmem:s0+$0x10];
	[tilespmem:s30+$0xFFFFFFC0] =	vst v5  }
0x7b: {  	v5 =	vld [tilespmem:s0+$0x20]  }
0x7c: {  	v8 =	vld [tilespmem:s0+$0xFFFFFFC0]  }
0x7d: {  	v7 =	vld.idx.msk [tilespmem:v7+s18+$0x0], $0xffff  }
0x7e: {  	v9 =	vld.idx.msk [tilespmem:v6+s18+$0x0], $0xffff  }
0x7f: {  	v6 =	vld.idx.msk [tilespmem:v4+s18+$0x0], $0xffff  }
.Ltmp3:
0x80: {  	v4 =	vld.idx.msk [tilespmem:v1+s18+$0x0], $0xffff;
	(pc) =	sbr.rel @p1 .LBB2_5-.Ltmp3, $4  }
0x81: {  	v1 =	vld.idx.msk [tilespmem:v2+s18+$0x0], $0xffff  }
0x82: {  	s30 =	sadd.s32 $0x80, s30;
	v2 =	vld.idx.msk [tilespmem:v3+s18+$0x0], $0xffff  }
0x83: {  	v3 =	vld.idx.msk [tilespmem:v5+s18+$0x0], $0xffff;
	[tilespmem:s30+$0x30] =	vst v7  }
0x84: {  	s0 =	sadd.s32 $0x80, s0;
	v5 =	vld.idx.msk [tilespmem:v8+s18+$0x0], $0xffff;
	[tilespmem:s30+$0xFFFFFFD0] =	vst v9  }
0x85: {  	[tilespmem:s30+$0xFFFFFFE0] =	vst v6  }
0x86: {  	[tilespmem:s30+$0xFFFFFFF0] =	vst v4  }
.Ltmp4:
0x87: {  	[tilespmem:s30+$0x0] =	vst v1;
	(pc) =	sbr.rel @p2 .LBB2_8-.Ltmp4, $4  }
0x88: {  	[tilespmem:s30+$0x10] =	vst v2  }
0x89: {  	s0 =	sshrl.u32 s29, $0x3;
	[tilespmem:s30+$0x20] =	vst v3  }
0x8a: {  	s2 =	sadd.s32 s3, s0;
	[tilespmem:s30+$0xFFFFFFC0] =	vst v5  }
0x8b: {  	[hbm4b:s2+s5] =	stream.linear.scatter [tilespmem:s23], [sflag:$0x4], $0x1400, $0x38;
	[tilespmem:$0x1EF10] =	vst v63  }
.Ltmp5:
0x8c: {  	(pc) =	sbr.rel .LBB2_2-.Ltmp5, $4  }
0x8d: {  	_ = 	snop  }
0x8e: {  	s0 =	sadd.s32 s1, s0  }
0x8f: {  	s28 =	sadd.s32 $0x1, s28;
	s0 =	sadd.s32 $0x500, s0  }
0x90: {  	[tilespmem:s14], [sflag:$0x2] =	stream.linear.gather [hbm4b:s0+s5], $0x1400, $0x38;
	[tilespmem:$0x1EF10] =	vst v63  }
.LBB2_9:
0x91: {  	_ =	sfence.sel $0x180000  }
0x92: {  	[bflag:$0x0] =	sbarrier.arrive $0xFFFF  }
0x93: {  	_ =	strace $0x90000047  }
0x94: {  	s0 =	stileid.u32;
	[bflag:$0x2] =	sbarrier.arrive $0xFFFF  }
0x95: {  	p0 =	sne.s32 s0, $0x0;
	s0 =	rddreg [dreg:$0x4]  }
0x96: {  	s0 =	sadd.s32 @!p0 $0x100000, s0  }
0x97: {  	[sflag:s0] =	ssyncadd.tile.s32 @!p0 $0x1;
	_ =	shalt  }
.Lfunc_end2:
_tile_overlayer_lowered:
.L_overlay_start_2:
0x98: {  	(tag) =	ssettag $0x2  }
0x99: {  	s0 =	rddreg [dreg:$0x0];
	s2 =	stileid.u32  }
0x9a: {  	s1 =	rddreg [dreg:$0x1];
	p0 =	sne.s32 s2, $0x0  }
0x9b: {  	s3 =	rddreg [dreg:$0x2];
	[bflag:$0x3] =	sbarrier.arrive $0xFFFF;
	s2 =	simm.s32 @!p0 $0x1C05  }
0x9c: {  	[timem:s3], [sflag:s2] =	dma.local @!p0 [hbm:s0], s1  }
0x9d: {  	s0 =	simm.s32 @!p0 $0x5  }
0x9e: {  	_ =	swait.ge @!p0 [sflag:s0], s1  }
0x9f: {  	s1 =	ssub.s32 @!p0 $0x0, s1;
	[sflag:s0] =	ssyncset.done @!p0 $0x0  }
0xa0: {  	[sflag:s0] =	ssyncadd.s32 @!p0 s1  }
0xa1: {  	[bflag:$0x3] =	sbarrier.arrive $0xFFFF  }
0xa2: {  	_ =	shalt  }

</sc_bundles>
